<compile_context>
chip_gen: v7x
topology: tpu7x:2x2x1
jax: 0.10.2.dev20260603
libtpu: 0.0.44.dev20260713+nightly
codegen_flags: <defaults>
</compile_context>

<pallas_src>
import jax
import jax.numpy as jnp
from jax.experimental import pallas as pl

_B, _N, _K = 4, 1024, 20
_NUM_CLASSES = 5
_NUM_HEADS = 2


def _mm_body(a_ref, b_ref, o_ref):
    o_ref[...] = jnp.dot(a_ref[...], b_ref[...],
                         preferred_element_type=jnp.float32)


def _pmm(a, b, tile_m=512):
    M, C = a.shape
    _, Nn = b.shape
    Mp = -(-M // tile_m) * tile_m
    Cp = -(-C // 128) * 128
    Np = -(-Nn // 128) * 128
    if (Mp, Cp) != (M, C):
        a = jnp.pad(a, ((0, Mp - M), (0, Cp - C)))
    if (Cp, Np) != (C, Nn):
        b = jnp.pad(b, ((0, Cp - C), (0, Np - Nn)))
    out = pl.pallas_call(
        _mm_body,
        grid=(Mp // tile_m,),
        in_specs=[pl.BlockSpec((tile_m, Cp), lambda i: (i, 0)),
                  pl.BlockSpec((Cp, Np), lambda i: (0, 0))],
        out_specs=pl.BlockSpec((tile_m, Np), lambda i: (i, 0)),
        out_shape=jax.ShapeDtypeStruct((Mp, Np), jnp.float32),
    )(a, b)
    return out[:M, :Nn]


def _dist_body(a_ref, o_ref):
    xb = a_ref[0]
    g = jnp.dot(xb, xb.T, preferred_element_type=jnp.float32)
    inner = -2.0 * g
    xx = jnp.sum(xb * xb, axis=1)
    o_ref[0] = (-xx[:, None]) - inner - xx[None, :]


def _knn_idx(x, k, spatial_dims=None):
    xs = x if spatial_dims is None else x[:, :spatial_dims, :]
    inner = -2.0 * jnp.einsum('bdn,bdm->bnm', xs, xs)
    xx = jnp.sum(xs * xs, axis=1)
    pd = -xx[:, :, None] - inner - xx[:, None, :]
    return jax.lax.top_k(pd, k + 1)[1][:, :, 1:]


def _gather_nbrs(x, core_types, k, spatial_dims=None):
    idx = _knn_idx(x, k, spatial_dims=spatial_dims)
    xt = jnp.transpose(x, (0, 2, 1))
    tf = jax.vmap(lambda xb, ib: xb[ib])(xt, idx)
    tt = jax.vmap(lambda cb, ib: cb[ib])(core_types, idx)
    return tf, tt


def _pe(xy, L=7):
    feats = [xy]
    for l in range(L):
        feats.append(jnp.sin((2.0 ** l) * xy))
        feats.append(jnp.cos((2.0 ** l) * xy))
    return jnp.concatenate(feats, axis=-1)


def _graph_features(x, target_features, spatial_dims=None, use_pe=False):
    xt = jnp.transpose(x, (0, 2, 1))
    if use_pe:
        center = xt[:, :, :spatial_dims]
        rel = target_features[:, :, :, :spatial_dims] - center[:, :, None, :]
        pe = _pe(center)
        pe = jnp.broadcast_to(pe[:, :, None, :], rel.shape[:3] + (pe.shape[-1],))
        feat = jnp.concatenate([pe, rel], axis=-1)
    else:
        center = jnp.broadcast_to(xt[:, :, None, :], target_features.shape)
        feat = jnp.concatenate([target_features - center, center], axis=-1)
    return jnp.transpose(feat, (0, 3, 1, 2))


def _bn(y, axes):
    m = jnp.mean(y, axis=axes, keepdims=True)
    v = jnp.var(y, axis=axes, keepdims=True)
    return (y - m) / jnp.sqrt(v + 1e-5)


def _conv2d_x(g, w):
    return jax.nn.leaky_relu(_bn(jnp.einsum('bcnk,oc->bonk', g, w), (0, 2, 3)), 0.2)


def _conv2d_p(g, w):
    Bx, C, Nx, Kx = g.shape
    a = jnp.transpose(g, (0, 2, 3, 1)).reshape(-1, C)
    y = _pmm(a, jnp.transpose(w))
    y = jnp.transpose(y.reshape(Bx, Nx, Kx, -1), (0, 3, 1, 2))
    return jax.nn.leaky_relu(_bn(y, (0, 2, 3)), 0.2)


def _att_coeffs(core, tt, ap, as_, Bx, Nx, Kx):
    ci = core.astype(jnp.int32)
    ti = tt.astype(jnp.int32)
    cb = jnp.broadcast_to(ci[:, :, None], (Bx, Nx, Kx))
    lo = jnp.minimum(ti, cb)[:, :, 1:]
    hi = jnp.maximum(ti, cb)[:, :, 1:]
    pairn = lo * _NUM_CLASSES - (lo * (lo - 1)) // 2 + (hi - lo)
    a0 = as_[ci][:, :, None, :]
    ar = ap[pairn]
    return jnp.concatenate([a0, ar], axis=2)


def _att_layer_x(h, core, tt, Ws, aps, ass):
    Bx, C, Nx, Kx = h.shape
    outs = []
    for hh in range(_NUM_HEADS):
        Wh = jnp.einsum('bcnk,cd->bnkd', h, Ws[hh])
        a = _att_coeffs(core, tt, aps[hh], ass[hh], Bx, Nx, Kx)
        e = jax.nn.leaky_relu(Wh * a, 0.2)
        att = jax.nn.softmax(e, axis=2)
        outs.append(jnp.transpose(jax.nn.elu(att * Wh), (0, 3, 1, 2)))
    return jnp.concatenate(outs, axis=1)


def _att_layer_p(h, core, tt, Ws, aps, ass):
    Bx, C, Nx, Kx = h.shape
    a_in = jnp.transpose(h, (0, 2, 3, 1)).reshape(-1, C)
    Wcat = jnp.concatenate([Ws[i] for i in range(_NUM_HEADS)], axis=1)
    Wh = _pmm(a_in, Wcat).reshape(Bx, Nx, Kx, _NUM_HEADS, C)
    outs = []
    for hh in range(_NUM_HEADS):
        a = _att_coeffs(core, tt, aps[hh], ass[hh], Bx, Nx, Kx)
        Whh = Wh[:, :, :, hh, :]
        e = jax.nn.leaky_relu(Whh * a, 0.2)
        att = jax.nn.softmax(e, axis=2)
        outs.append(jnp.transpose(jax.nn.elu(att * Whh), (0, 3, 1, 2)))
    return jnp.concatenate(outs, axis=1)


def kernel(x, w_conv1, w_conv2, w_conv3, w_conv4, w_conv5,
           att1_W, att1_ap, att1_as, att2_W, att2_ap, att2_as,
           att3_W, att3_ap, att3_as, att4_W, att4_ap, att4_as,
           lin1_W, lin2_W, lin2_b, lin3_W, lin3_b):
    core = x[:, 2, :]

    tf, tt = _gather_nbrs(x, core, _K, spatial_dims=2)
    g = _graph_features(x, tf, spatial_dims=2, use_pe=True)
    h = _conv2d_x(g, w_conv1)
    ct = jnp.broadcast_to(core[:, :, None], (_B, _N, _K))
    stack = jnp.sort(jnp.stack([tt, ct], axis=0), axis=0)
    ax1 = _att_layer_x(h, core, tt, att1_W, att1_ap, att1_as)
    x1 = jnp.mean(ax1, axis=-1)

    tf, tt = _gather_nbrs(x1, core, _K)
    h = _conv2d_x(_graph_features(x1, tf), w_conv2)
    ax2 = _att_layer_x(h, core, tt, att2_W, att2_ap, att2_as)
    x2 = jnp.mean(ax2, axis=-1)

    tf, tt = _gather_nbrs(x2, core, _K)
    h = _conv2d_x(_graph_features(x2, tf), w_conv3)
    ax3 = _att_layer_x(h, core, tt, att3_W, att3_ap, att3_as)
    x3 = jnp.mean(ax3, axis=-1)

    tf, tt = _gather_nbrs(x3, core, _K)
    h = _conv2d_p(_graph_features(x3, tf), w_conv4)
    ax4 = _att_layer_p(h, core, tt, att4_W, att4_ap, att4_as)
    x4 = jnp.mean(ax4, axis=-1)

    xc = jnp.concatenate([x1, x2, x3, x4], axis=1)
    a = jnp.transpose(xc, (0, 2, 1)).reshape(-1, xc.shape[1])
    x5 = jnp.transpose(_pmm(a, jnp.transpose(w_conv5)).reshape(_B, _N, -1), (0, 2, 1))
    x5 = jax.nn.leaky_relu(_bn(x5, (0, 2)), 0.2)
    p = jnp.concatenate([jnp.max(x5, axis=2), jnp.mean(x5, axis=2)], axis=1)
    y = jax.nn.leaky_relu(_bn(_pmm(p, jnp.transpose(lin1_W), tile_m=8), (0,)), 0.2)
    y = jax.nn.leaky_relu(_bn(_pmm(y, jnp.transpose(lin2_W), tile_m=8) + lin2_b, (0,)), 0.2)
    y = _pmm(y, jnp.transpose(lin3_W), tile_m=8) + lin3_b
    return y, ax4, stack

# --- scband reference (transcript-rebuilt; emitter-appended) ---
"""Pipeline reference for scband-spatial-dgcnn-20100446945958 (READ-ONLY COPY).

The authoritative reference and input builder live on the scoring server;
editing this copy changes nothing except your own understanding.
"""

import jax, jax.numpy as jnp
import numpy as np

B, N, K = 4, 1024, 20
NUM_CLASSES = 5
NUM_HEADS = 2
EMB_DIMS = 1024
OUT = 5
NPERMS = sum(NUM_CLASSES - i for i in range(NUM_CLASSES))


def _knn(x, k):
    inner = -2.0 * jnp.einsum('bdn,bdm->bnm', x, x)
    xx = jnp.sum(x * x, axis=1)
    pd = -xx[:, :, None] - inner - xx[:, None, :]
    return jax.lax.top_k(pd, k + 1)[1][:, :, 1:]


def _get_knn_features(x, core_types, k, spatial_dims=None):
    xs = x if spatial_dims is None else x[:, :spatial_dims, :]
    idx = _knn(xs, k)
    xt = jnp.transpose(x, (0, 2, 1))
    tf = jax.vmap(lambda xb, ib: xb[ib])(xt, idx)
    tt = jax.vmap(lambda cb, ib: cb[ib])(core_types, idx)
    return tf, tt


def _pe(xy, L=7):
    feats = [xy]
    for l in range(L):
        feats.append(jnp.sin((2.0 ** l) * xy))
        feats.append(jnp.cos((2.0 ** l) * xy))
    return jnp.concatenate(feats, axis=-1)


def _graph_features(x, target_features, spatial_dims=None, use_pe=False):
    xt = jnp.transpose(x, (0, 2, 1))
    if use_pe:
        center = xt[:, :, :spatial_dims]
        rel = target_features[:, :, :, :spatial_dims] - center[:, :, None, :]
        pe = _pe(center)
        pe = jnp.broadcast_to(pe[:, :, None, :], rel.shape[:3] + (pe.shape[-1],))
        feat = jnp.concatenate([pe, rel], axis=-1)
    else:
        center = jnp.broadcast_to(xt[:, :, None, :], target_features.shape)
        feat = jnp.concatenate([target_features - center, center], axis=-1)
    return jnp.transpose(feat, (0, 3, 1, 2))


def _bn(y, axes):
    m = jnp.mean(y, axis=axes, keepdims=True)
    v = jnp.var(y, axis=axes, keepdims=True)
    return (y - m) / jnp.sqrt(v + 1e-5)


def _conv2d(x, w):
    return jax.nn.leaky_relu(_bn(jnp.einsum('bcnk,oc->bonk', x, w), (0, 2, 3)), 0.2)


def _conv1d(x, w):
    return jax.nn.leaky_relu(_bn(jnp.einsum('bcn,oc->bon', x, w), (0, 2)), 0.2)


def _attention(x, core_types, target_types, W, a_pair, a_self):
    Bx, C, Nx, kx = x.shape
    Wh = jnp.einsum('bcnk,cd->bnkd', x, W)
    ct = jnp.broadcast_to(core_types[:, :, None], (Bx, Nx, kx))
    stack = jnp.sort(jnp.stack([target_types, ct], axis=0), axis=0)
    a0 = jnp.ones((Bx, Nx, 1, C), dtype=x.dtype)
    ar = jnp.ones((Bx, Nx, kx - 1, C), dtype=x.dtype)
    n = 0
    for i in range(NUM_CLASSES):
        a0 = jnp.where((core_types == float(i))[:, :, None, None], a_self[i], a0)
        for j in range(i, NUM_CLASSES):
            m = ((stack[0, :, :, 1:] == float(i)) & (stack[1, :, :, 1:] == float(j)))[..., None]
            ar = jnp.where(m, a_pair[n], ar)
            n += 1
    a = jnp.concatenate([a0, ar], axis=2)
    e = jax.nn.leaky_relu(Wh * a, 0.2)
    att = jax.nn.softmax(e, axis=2)
    return jnp.transpose(jax.nn.elu(att * Wh), (0, 3, 1, 2))


def _forward(x, w1, w2, w3, w4, w5, a1W, a1p, a1s, a2W, a2p, a2s, a3W, a3p, a3s, a4W, a4p, a4s, l1W, l2W, l2b, l3W, l3b):
    core = x[:, 2, :]
    tf, tt = _get_knn_features(x, core, K, spatial_dims=2)
    g = _graph_features(x, tf, spatial_dims=2, use_pe=True)
    h = _conv2d(g, w1)
    ct = jnp.broadcast_to(core[:, :, None], (B, N, K))
    stack = jnp.sort(jnp.stack([tt, ct], axis=0), axis=0)
    ax1 = jnp.concatenate([_attention(h, core, tt, a1W[i], a1p[i], a1s[i]) for i in range(NUM_HEADS)], axis=1)
    x1 = jnp.mean(ax1, axis=-1)
    tf, tt = _get_knn_features(x1, core, K)
    h = _conv2d(_graph_features(x1, tf), w2)
    ax2 = jnp.concatenate([_attention(h, core, tt, a2W[i], a2p[i], a2s[i]) for i in range(NUM_HEADS)], axis=1)
    x2 = jnp.mean(ax2, axis=-1)
    tf, tt = _get_knn_features(x2, core, K)
    h = _conv2d(_graph_features(x2, tf), w3)
    ax3 = jnp.concatenate([_attention(h, core, tt, a3W[i], a3p[i], a3s[i]) for i in range(NUM_HEADS)], axis=1)
    x3 = jnp.mean(ax3, axis=-1)
    tf, tt = _get_knn_features(x3, core, K)
    h = _conv2d(_graph_features(x3, tf), w4)
    ax4 = jnp.concatenate([_attention(h, core, tt, a4W[i], a4p[i], a4s[i]) for i in range(NUM_HEADS)], axis=1)
    x4 = jnp.mean(ax4, axis=-1)
    x5 = _conv1d(jnp.concatenate([x1, x2, x3, x4], axis=1), w5)
    p = jnp.concatenate([jnp.max(x5, axis=2), jnp.mean(x5, axis=2)], axis=1)
    y = jax.nn.leaky_relu(_bn(p @ l1W.T, (0,)), 0.2)
    y = jax.nn.leaky_relu(_bn(y @ l2W.T + l2b, (0,)), 0.2)
    y = y @ l3W.T + l3b
    return y, ax4, stack


def setup_inputs(seed: int = 0):
    key = jax.random.key(seed)
    ks = jax.random.split(key, 32)
    coords = jax.random.normal(ks[0], (B, 2, N), dtype=jnp.float32)
    types = jax.random.randint(ks[1], (B, 1, N), 0, NUM_CLASSES).astype(jnp.float32)
    x = jnp.concatenate([coords, types], axis=1)

    def rnd(i, shape, s=0.1):
        return jax.random.normal(ks[i], shape, dtype=jnp.float32) * s

    d = {'x': x}
    d['w_conv1'] = rnd(2, (64, 32))
    d['w_conv2'] = rnd(3, (64, 64 * 2 * NUM_HEADS))
    d['w_conv3'] = rnd(4, (128, 64 * 2 * NUM_HEADS))
    d['w_conv4'] = rnd(5, (256, 128 * 2 * NUM_HEADS))
    d['w_conv5'] = rnd(6, (EMB_DIMS, (64 + 64 + 128 + 256) * NUM_HEADS))
    for li, c in ((1, 64), (2, 64), (3, 128), (4, 256)):
        d['att%d_W' % li] = rnd(6 + 3 * li, (NUM_HEADS, c, c))
        d['att%d_ap' % li] = rnd(7 + 3 * li, (NUM_HEADS, NPERMS, c))
        d['att%d_as' % li] = rnd(8 + 3 * li, (NUM_HEADS, NUM_CLASSES, c))
    d['lin1_W'] = rnd(22, (512, EMB_DIMS * 2))
    d['lin2_W'] = rnd(23, (256, 512))
    d['lin2_b'] = jnp.zeros((256,), dtype=jnp.float32)
    d['lin3_W'] = rnd(24, (OUT, 256))
    d['lin3_b'] = jnp.zeros((OUT,), dtype=jnp.float32)
    return d


def reference(x, w_conv1, w_conv2, w_conv3, w_conv4, w_conv5, att1_W, att1_ap, att1_as, att2_W, att2_ap, att2_as, att3_W, att3_ap, att3_as, att4_W, att4_ap, att4_as, lin1_W, lin2_W, lin2_b, lin3_W, lin3_b):
    return _forward(x, w_conv1, w_conv2, w_conv3, w_conv4, w_conv5, att1_W, att1_ap, att1_as, att2_W, att2_ap, att2_as, att3_W, att3_ap, att3_as, att4_W, att4_ap, att4_as, lin1_W, lin2_W, lin2_b, lin3_W, lin3_b)

if __name__ == "__main__":
    import jax
    _d = setup_inputs()
    print(jax.jit(kernel)(*tuple(_d.values())))

</pallas_src>

<mosaic_0001>
module attributes {stable_mosaic.version = 14 : i64} {
  func.func @_mm_body(%arg0: i32, %arg1: memref<512x512xf32, #tpu.memory_space<vmem>>, %arg2: memref<512x256xf32, #tpu.memory_space<vmem>>, %arg3: memref<512x256xf32, #tpu.memory_space<vmem>>) attributes {dimension_semantics = [#tpu.dimension_semantics<arbitrary>], iteration_bounds = array<i64: 160>, scalar_prefetch = 0 : i64, scratch_operands = 0 : i64, tpu.core_type = #tpu.core_type<tc>, window_params = [{transform_indices = @transform_0, window_bounds = array<i64: 512, 512>}, {pipeline_mode = #tpu.pipeline_mode<synchronous>, transform_indices = @transform_1, window_bounds = array<i64: 512, 256>}, {transform_indices = @transform_2, window_bounds = array<i64: 512, 256>}]} {
    %get3A = arith.constant 0 : index
    %get3A_0 = arith.constant 0 : index
    %get3A_1 = vector.load %arg1[%get3A, %get3A_0] : memref<512x512xf32, #tpu.memory_space<vmem>>, vector<512x512xf32>
    %get3A_2 = arith.constant 0 : index
    %get3A_3 = arith.constant 0 : index
    %get3A_4 = vector.load %arg2[%get3A_2, %get3A_3] : memref<512x256xf32, #tpu.memory_space<vmem>>, vector<512x256xf32>
    %dot_general3A = arith.constant dense<0.000000e+00> : vector<512x256xf32>
    %dot_general3A_5 = tpu.matmul %get3A_1, %get3A_4, %dot_general3A {dimension_numbers = #tpu.dot_dimension_numbers<[1], [0], [0], [1], [0, 0, 1, 1], [], []>, transpose_lhs_hint = false} : vector<512x512xf32>, vector<512x256xf32>, vector<512x256xf32> -> vector<512x256xf32>
    %swap3A = arith.constant 0 : index
    %swap3A_6 = arith.constant 0 : index
    %swap3A_7 = vector.load %arg3[%swap3A, %swap3A_6] : memref<512x256xf32, #tpu.memory_space<vmem>>, vector<512x256xf32>
    tpu.vector_store %arg3[%swap3A, %swap3A_6], %dot_general3A_5 {strides = array<i32>} : memref<512x256xf32, #tpu.memory_space<vmem>>, vector<512x256xf32>,
    return
  }
  func.func @transform_0(%arg0: i32) -> (i32, i32) {
    %c0_i32 = arith.constant 0 : i32
    %c0_i32_0 = arith.constant 0 : i32
    return %arg0, %c0_i32 : i32, i32
  }
  func.func @transform_1(%arg0: i32) -> (i32, i32) {
    %c0_i32 = arith.constant 0 : i32
    %c0_i32_0 = arith.constant 0 : i32
    %c0_i32_1 = arith.constant 0 : i32
    return %c0_i32, %c0_i32_0 : i32, i32
  }
  func.func @transform_2(%arg0: i32) -> (i32, i32) {
    %c0_i32 = arith.constant 0 : i32
    %c0_i32_0 = arith.constant 0 : i32
    return %arg0, %c0_i32 : i32, i32
  }
}

module attributes {stable_mosaic.version = 14 : i64} {
  func.func @_mm_body(%arg0: i32, %arg1: memref<512x256xf32, #tpu.memory_space<vmem>>, %arg2: memref<256x512xf32, #tpu.memory_space<vmem>>, %arg3: memref<512x512xf32, #tpu.memory_space<vmem>>) attributes {dimension_semantics = [#tpu.dimension_semantics<arbitrary>], iteration_bounds = array<i64: 160>, scalar_prefetch = 0 : i64, scratch_operands = 0 : i64, tpu.core_type = #tpu.core_type<tc>, window_params = [{transform_indices = @transform_0, window_bounds = array<i64: 512, 256>}, {pipeline_mode = #tpu.pipeline_mode<synchronous>, transform_indices = @transform_1, window_bounds = array<i64: 256, 512>}, {transform_indices = @transform_2, window_bounds = array<i64: 512, 512>}]} {
    %get3A = arith.constant 0 : index
    %get3A_0 = arith.constant 0 : index
    %get3A_1 = vector.load %arg1[%get3A, %get3A_0] : memref<512x256xf32, #tpu.memory_space<vmem>>, vector<512x256xf32>
    %get3A_2 = arith.constant 0 : index
    %get3A_3 = arith.constant 0 : index
    %get3A_4 = vector.load %arg2[%get3A_2, %get3A_3] : memref<256x512xf32, #tpu.memory_space<vmem>>, vector<256x512xf32>
    %dot_general3A = arith.constant dense<0.000000e+00> : vector<512x512xf32>
    %dot_general3A_5 = tpu.matmul %get3A_1, %get3A_4, %dot_general3A {dimension_numbers = #tpu.dot_dimension_numbers<[1], [0], [0], [1], [0, 0, 1, 1], [], []>, transpose_lhs_hint = false} : vector<512x256xf32>, vector<256x512xf32>, vector<512x512xf32> -> vector<512x512xf32>
    %swap3A = arith.constant 0 : index
    %swap3A_6 = arith.constant 0 : index
    %swap3A_7 = vector.load %arg3[%swap3A, %swap3A_6] : memref<512x512xf32, #tpu.memory_space<vmem>>, vector<512x512xf32>
    tpu.vector_store %arg3[%swap3A, %swap3A_6], %dot_general3A_5 {strides = array<i32>} : memref<512x512xf32, #tpu.memory_space<vmem>>, vector<512x512xf32>,
    return
  }
  func.func @transform_0(%arg0: i32) -> (i32, i32) {
    %c0_i32 = arith.constant 0 : i32
    %c0_i32_0 = arith.constant 0 : i32
    return %arg0, %c0_i32 : i32, i32
  }
  func.func @transform_1(%arg0: i32) -> (i32, i32) {
    %c0_i32 = arith.constant 0 : i32
    %c0_i32_0 = arith.constant 0 : i32
    %c0_i32_1 = arith.constant 0 : i32
    return %c0_i32, %c0_i32_0 : i32, i32
  }
  func.func @transform_2(%arg0: i32) -> (i32, i32) {
    %c0_i32 = arith.constant 0 : i32
    %c0_i32_0 = arith.constant 0 : i32
    return %arg0, %c0_i32 : i32, i32
  }
}

module attributes {stable_mosaic.version = 14 : i64} {
  func.func @_mm_body(%arg0: i32, %arg1: memref<512x1024xf32, #tpu.memory_space<vmem>>, %arg2: memref<1024x1024xf32, #tpu.memory_space<vmem>>, %arg3: memref<512x1024xf32, #tpu.memory_space<vmem>>) attributes {dimension_semantics = [#tpu.dimension_semantics<arbitrary>], iteration_bounds = array<i64: 8>, scalar_prefetch = 0 : i64, scratch_operands = 0 : i64, tpu.core_type = #tpu.core_type<tc>, window_params = [{transform_indices = @transform_0, window_bounds = array<i64: 512, 1024>}, {pipeline_mode = #tpu.pipeline_mode<synchronous>, transform_indices = @transform_1, window_bounds = array<i64: 1024, 1024>}, {transform_indices = @transform_2, window_bounds = array<i64: 512, 1024>}]} {
    %get3A = arith.constant 0 : index
    %get3A_0 = arith.constant 0 : index
    %get3A_1 = vector.load %arg1[%get3A, %get3A_0] : memref<512x1024xf32, #tpu.memory_space<vmem>>, vector<512x1024xf32>
    %get3A_2 = arith.constant 0 : index
    %get3A_3 = arith.constant 0 : index
    %get3A_4 = vector.load %arg2[%get3A_2, %get3A_3] : memref<1024x1024xf32, #tpu.memory_space<vmem>>, vector<1024x1024xf32>
    %dot_general3A = arith.constant dense<0.000000e+00> : vector<512x1024xf32>
    %dot_general3A_5 = tpu.matmul %get3A_1, %get3A_4, %dot_general3A {dimension_numbers = #tpu.dot_dimension_numbers<[1], [0], [0], [1], [0, 0, 1, 1], [], []>, transpose_lhs_hint = false} : vector<512x1024xf32>, vector<1024x1024xf32>, vector<512x1024xf32> -> vector<512x1024xf32>
    %swap3A = arith.constant 0 : index
    %swap3A_6 = arith.constant 0 : index
    %swap3A_7 = vector.load %arg3[%swap3A, %swap3A_6] : memref<512x1024xf32, #tpu.memory_space<vmem>>, vector<512x1024xf32>
    tpu.vector_store %arg3[%swap3A, %swap3A_6], %dot_general3A_5 {strides = array<i32>} : memref<512x1024xf32, #tpu.memory_space<vmem>>, vector<512x1024xf32>,
    return
  }
  func.func @transform_0(%arg0: i32) -> (i32, i32) {
    %c0_i32 = arith.constant 0 : i32
    %c0_i32_0 = arith.constant 0 : i32
    return %arg0, %c0_i32 : i32, i32
  }
  func.func @transform_1(%arg0: i32) -> (i32, i32) {
    %c0_i32 = arith.constant 0 : i32
    %c0_i32_0 = arith.constant 0 : i32
    %c0_i32_1 = arith.constant 0 : i32
    return %c0_i32, %c0_i32_0 : i32, i32
  }
  func.func @transform_2(%arg0: i32) -> (i32, i32) {
    %c0_i32 = arith.constant 0 : i32
    %c0_i32_0 = arith.constant 0 : i32
    return %arg0, %c0_i32 : i32, i32
  }
}

module attributes {stable_mosaic.version = 14 : i64} {
  func.func @_mm_body(%arg0: i32, %arg1: memref<8x2048xf32, #tpu.memory_space<vmem>>, %arg2: memref<2048x512xf32, #tpu.memory_space<vmem>>, %arg3: memref<8x512xf32, #tpu.memory_space<vmem>>) attributes {dimension_semantics = [#tpu.dimension_semantics<arbitrary>], iteration_bounds = array<i64: 1>, scalar_prefetch = 0 : i64, scratch_operands = 0 : i64, tpu.core_type = #tpu.core_type<tc>, window_params = [{transform_indices = @transform_0, window_bounds = array<i64: 8, 2048>}, {pipeline_mode = #tpu.pipeline_mode<synchronous>, transform_indices = @transform_1, window_bounds = array<i64: 2048, 512>}, {transform_indices = @transform_2, window_bounds = array<i64: 8, 512>}]} {
    %get3A = arith.constant 0 : index
    %get3A_0 = arith.constant 0 : index
    %get3A_1 = vector.load %arg1[%get3A, %get3A_0] : memref<8x2048xf32, #tpu.memory_space<vmem>>, vector<8x2048xf32>
    %get3A_2 = arith.constant 0 : index
    %get3A_3 = arith.constant 0 : index
    %get3A_4 = vector.load %arg2[%get3A_2, %get3A_3] : memref<2048x512xf32, #tpu.memory_space<vmem>>, vector<2048x512xf32>
    %dot_general3A = arith.constant dense<0.000000e+00> : vector<8x512xf32>
    %dot_general3A_5 = tpu.matmul %get3A_1, %get3A_4, %dot_general3A {dimension_numbers = #tpu.dot_dimension_numbers<[1], [0], [0], [1], [0, 0, 1, 1], [], []>, transpose_lhs_hint = false} : vector<8x2048xf32>, vector<2048x512xf32>, vector<8x512xf32> -> vector<8x512xf32>
    %swap3A = arith.constant 0 : index
    %swap3A_6 = arith.constant 0 : index
    %swap3A_7 = vector.load %arg3[%swap3A, %swap3A_6] : memref<8x512xf32, #tpu.memory_space<vmem>>, vector<8x512xf32>
    tpu.vector_store %arg3[%swap3A, %swap3A_6], %dot_general3A_5 {strides = array<i32>} : memref<8x512xf32, #tpu.memory_space<vmem>>, vector<8x512xf32>,
    return
  }
  func.func @transform_0(%arg0: i32) -> (i32, i32) {
    %c0_i32 = arith.constant 0 : i32
    %c0_i32_0 = arith.constant 0 : i32
    return %arg0, %c0_i32 : i32, i32
  }
  func.func @transform_1(%arg0: i32) -> (i32, i32) {
    %c0_i32 = arith.constant 0 : i32
    %c0_i32_0 = arith.constant 0 : i32
    %c0_i32_1 = arith.constant 0 : i32
    return %c0_i32, %c0_i32_0 : i32, i32
  }
  func.func @transform_2(%arg0: i32) -> (i32, i32) {
    %c0_i32 = arith.constant 0 : i32
    %c0_i32_0 = arith.constant 0 : i32
    return %arg0, %c0_i32 : i32, i32
  }
}

module attributes {stable_mosaic.version = 14 : i64} {
  func.func @_mm_body(%arg0: i32, %arg1: memref<8x512xf32, #tpu.memory_space<vmem>>, %arg2: memref<512x256xf32, #tpu.memory_space<vmem>>, %arg3: memref<8x256xf32, #tpu.memory_space<vmem>>) attributes {dimension_semantics = [#tpu.dimension_semantics<arbitrary>], iteration_bounds = array<i64: 1>, scalar_prefetch = 0 : i64, scratch_operands = 0 : i64, tpu.core_type = #tpu.core_type<tc>, window_params = [{transform_indices = @transform_0, window_bounds = array<i64: 8, 512>}, {pipeline_mode = #tpu.pipeline_mode<synchronous>, transform_indices = @transform_1, window_bounds = array<i64: 512, 256>}, {transform_indices = @transform_2, window_bounds = array<i64: 8, 256>}]} {
    %get3A = arith.constant 0 : index
    %get3A_0 = arith.constant 0 : index
    %get3A_1 = vector.load %arg1[%get3A, %get3A_0] : memref<8x512xf32, #tpu.memory_space<vmem>>, vector<8x512xf32>
    %get3A_2 = arith.constant 0 : index
    %get3A_3 = arith.constant 0 : index
    %get3A_4 = vector.load %arg2[%get3A_2, %get3A_3] : memref<512x256xf32, #tpu.memory_space<vmem>>, vector<512x256xf32>
    %dot_general3A = arith.constant dense<0.000000e+00> : vector<8x256xf32>
    %dot_general3A_5 = tpu.matmul %get3A_1, %get3A_4, %dot_general3A {dimension_numbers = #tpu.dot_dimension_numbers<[1], [0], [0], [1], [0, 0, 1, 1], [], []>, transpose_lhs_hint = false} : vector<8x512xf32>, vector<512x256xf32>, vector<8x256xf32> -> vector<8x256xf32>
    %swap3A = arith.constant 0 : index
    %swap3A_6 = arith.constant 0 : index
    %swap3A_7 = vector.load %arg3[%swap3A, %swap3A_6] : memref<8x256xf32, #tpu.memory_space<vmem>>, vector<8x256xf32>
    tpu.vector_store %arg3[%swap3A, %swap3A_6], %dot_general3A_5 {strides = array<i32>} : memref<8x256xf32, #tpu.memory_space<vmem>>, vector<8x256xf32>,
    return
  }
  func.func @transform_0(%arg0: i32) -> (i32, i32) {
    %c0_i32 = arith.constant 0 : i32
    %c0_i32_0 = arith.constant 0 : i32
    return %arg0, %c0_i32 : i32, i32
  }
  func.func @transform_1(%arg0: i32) -> (i32, i32) {
    %c0_i32 = arith.constant 0 : i32
    %c0_i32_0 = arith.constant 0 : i32
    %c0_i32_1 = arith.constant 0 : i32
    return %c0_i32, %c0_i32_0 : i32, i32
  }
  func.func @transform_2(%arg0: i32) -> (i32, i32) {
    %c0_i32 = arith.constant 0 : i32
    %c0_i32_0 = arith.constant 0 : i32
    return %arg0, %c0_i32 : i32, i32
  }
}

module attributes {stable_mosaic.version = 14 : i64} {
  func.func @_mm_body(%arg0: i32, %arg1: memref<8x256xf32, #tpu.memory_space<vmem>>, %arg2: memref<256x128xf32, #tpu.memory_space<vmem>>, %arg3: memref<8x128xf32, #tpu.memory_space<vmem>>) attributes {dimension_semantics = [#tpu.dimension_semantics<arbitrary>], iteration_bounds = array<i64: 1>, scalar_prefetch = 0 : i64, scratch_operands = 0 : i64, tpu.core_type = #tpu.core_type<tc>, window_params = [{transform_indices = @transform_0, window_bounds = array<i64: 8, 256>}, {pipeline_mode = #tpu.pipeline_mode<synchronous>, transform_indices = @transform_1, window_bounds = array<i64: 256, 128>}, {transform_indices = @transform_2, window_bounds = array<i64: 8, 128>}]} {
    %get3A = arith.constant 0 : index
    %get3A_0 = arith.constant 0 : index
    %get3A_1 = vector.load %arg1[%get3A, %get3A_0] : memref<8x256xf32, #tpu.memory_space<vmem>>, vector<8x256xf32>
    %get3A_2 = arith.constant 0 : index
    %get3A_3 = arith.constant 0 : index
    %get3A_4 = vector.load %arg2[%get3A_2, %get3A_3] : memref<256x128xf32, #tpu.memory_space<vmem>>, vector<256x128xf32>
    %dot_general3A = arith.constant dense<0.000000e+00> : vector<8x128xf32>
    %dot_general3A_5 = tpu.matmul %get3A_1, %get3A_4, %dot_general3A {dimension_numbers = #tpu.dot_dimension_numbers<[1], [0], [0], [1], [0, 0, 1, 1], [], []>, transpose_lhs_hint = false} : vector<8x256xf32>, vector<256x128xf32>, vector<8x128xf32> -> vector<8x128xf32>
    %swap3A = arith.constant 0 : index
    %swap3A_6 = arith.constant 0 : index
    %swap3A_7 = vector.load %arg3[%swap3A, %swap3A_6] : memref<8x128xf32, #tpu.memory_space<vmem>>, vector<8x128xf32>
    tpu.vector_store %arg3[%swap3A, %swap3A_6], %dot_general3A_5 {strides = array<i32>} : memref<8x128xf32, #tpu.memory_space<vmem>>, vector<8x128xf32>,
    return
  }
  func.func @transform_0(%arg0: i32) -> (i32, i32) {
    %c0_i32 = arith.constant 0 : i32
    %c0_i32_0 = arith.constant 0 : i32
    return %arg0, %c0_i32 : i32, i32
  }
  func.func @transform_1(%arg0: i32) -> (i32, i32) {
    %c0_i32 = arith.constant 0 : i32
    %c0_i32_0 = arith.constant 0 : i32
    %c0_i32_1 = arith.constant 0 : i32
    return %c0_i32, %c0_i32_0 : i32, i32
  }
  func.func @transform_2(%arg0: i32) -> (i32, i32) {
    %c0_i32 = arith.constant 0 : i32
    %c0_i32_0 = arith.constant 0 : i32
    return %arg0, %c0_i32 : i32, i32
  }
}

</mosaic_0001>

<sc_bundles>
// kernel: sparse-core-data-format-call.1.cloned.1.call-start
scs
called_computation.1_lowered:
.L_overlay_start_0:
0x0: {  	s2 =	sld [smem:$0x3FD9]  }
0x1: {  	s3 =	sld [smem:$0x3FFE];
	_ =	sdelay $0x1  }
0x2: {  	s1 =	srdreg.scid  }
0x3: {  	s0 =	sand.u32 $0x1, s1  }
0x4: {  	s16 =	sshll.u32 s0, $0xA;
	s2 =	sadd.s32 s3, s2  }
0x5: {  	s2 =	sadd.s32 s2, s16  }
0x6: {  	[smem:$0x3FB1] =	sst s2  }
0x7: {  	_ = 	snop  }
0x8: {  	s2 =	sld [smem:$0x3FD0];
	_ =	sdelay $0x2  }
0x9: {  	s17 =	simm.s32 $0xB;
	s4 =	simm.s32 $0x10  }
0xa: {  	[smem:s4], [sflag:s17] =	dma.local [hbm:s2], $0x1  }
0xb: {  	_ =	swait.eq [sflag:s17], $0x1  }
0xc: {  	[sflag:s17] =	ssyncset.done $0x0  }
0xd: {  	[sflag:s17] =	ssyncadd.s32 $0xFFFFFFFF  }
0xe: {  	s18 =	sld [smem:$0x11];
	(tm) =	ssettm $0x1  }
0xf: {  	s19 =	sld [smem:$0x3FFB];
	_ =	sdelay $0x3  }
0x10: {  	_ =	strace s19  }
0x11: {  	s2 =	sld [smem:$0x3FFC];
	_ =	sdelay $0x3  }
0x12: {  	_ =	strace s2  }
0x13: {  	s2 =	sld [smem:$0x3FFD];
	_ =	sdelay $0x3  }
0x14: {  	_ =	strace s2  }
0x15: {  	_ =	strace $0x8FFFFFFF  }
0x16: {  	s20 =	sld [smem:$0x3FDB];
	_ =	sdelay $0x1  }
0x17: {  	s21 =	simm.s32 $_scs_section_size  }
0x18: {  	s5 =	simm.s32 $_size__tile_overlayer_lowered;
	s6 =	simm.s32 $_tile_overlayer_lowered  }
0x19: {  	s7 =	simm.s32 $0x1BFF;
	s22 =	sshll.u32 s6, $0x1;
	s4 =	sadd.s32 s21, s20  }
0x1a: {  	s23 =	simm.s32 $0x0;
	s5 =	sshll.u32 s5, $0x1;
	s6 =	sadd.s32 s22, s4  }
0x1b: {  	[timem:s23], [sflag:s7] =	dma.local [hbm:s6], s5  }
0x1c: {  	_ =	swait.ge [sflag:s7], s5  }
0x1d: {  	s5 =	ssub.s32 $0x0, s5;
	[sflag:s7] =	ssyncset.done $0x0  }
0x1e: {  	[sflag:s7] =	ssyncadd.s32 s5;
	_ =	sdelay $0x1  }
0x1f: {  	s24 =	simm.s32 $0x1B8B  }
0x20: {  	_ =	swait.ge [sflag:s24], $0x1  }
0x21: {  	[sflag:s24] =	ssyncset.done $0x0  }
0x22: {  	[sflag:s24] =	ssyncadd.s32 $0xFFFFFFFF  }
0x23: {  	s5 =	sld [smem:$0x0]  }
0x24: {  	s6 =	sand.u32 $0xFFFFFFFE, s1  }
0x25: {  	p0 =	sne.s32 s1, s6  }
0x26: {  	s6 =	sshll.u32 @p0 s6, $0xE  }
0x27: {  	s6 =	sadd.s32 @p0 $0x11B8D, s6;
	s7 =	sshll.u32 @p0 s5, $0x11  }
0x28: {  	s6 =	sor.u32 @p0 s7, s6  }
0x29: {  	[sflag:s6] =	ssyncadd.remote.s32 @p0 $0x1;
	_ =	sdelay $0x1  }
0x2a: {  	s6 =	simm.s32 @p0 $0x1B8D  }
0x2b: {  	_ =	swait.eq @p0 [sflag:s6], $0x1  }
0x2c: {  	[sflag:s6] =	ssyncadd.s32 @p0 $0xFFFFFFFF  }
0x2d: {  	s7 =	sshll.u32 @!p0 s1, $0xE  }
0x2e: {  	s7 =	sor.u32 @!p0 $0x4000, s7;
	s6 =	simm.s32 @!p0 $0x1B8D  }
0x2f: {  	s5 =	sshll.u32 @!p0 s5, $0x11;
	s7 =	sadd.s32 @!p0 $0x11B8D, s7;
	_ =	swait.eq @!p0 [sflag:s6], $0x1  }
0x30: {  	s5 =	sor.u32 @!p0 s5, s7;
	[sflag:s6] =	ssyncadd.s32 @!p0 $0xFFFFFFFF  }
0x31: {  	s26 =	simm.s32 $0x1B8E;
	s25 =	sld [smem:$0x3FFE];
	[sflag:s5] =	ssyncadd.remote.s32 @!p0 $0x1  }
0x32: {  	s27 =	simm.s32 $execute0_lowered;
	[smem:$0x3FD2] =	sst s26  }
0x33: {  	s6 =	sshll.u32 s27, $0x1;
	_ =	strace $0x8000004C;
	[dreg:$0x1] =	wrdreg $0xFFFFFFFF  }
0x34: {  	s28 =	simm.s32 $_size_execute0_lowered;
	s4 =	sadd.s32 s4, s6;
	[dreg:$0x0] =	wrdreg $0x0  }
0x35: {  	s6 =	sshll.u32 s28, $0x1;
	[dreg:$0x2] =	wrdreg s4  }
0x36: {  	[dreg:$0x3] =	wrdreg s6  }
0x37: {  	[dreg:$0x4] =	wrdreg $0xC0  }
0x38: {  	_ =	task [dreg:s23], $0x5FFFF  }
0x39: {  	[dreg:$0x1] =	wrdreg $0xFFFFFFFF  }
0x3a: {  	[dreg:$0x0] =	wrdreg $0x60  }
0x3b: {  	[dreg:$0x2] =	wrdreg s18  }
0x3c: {  	[dreg:$0x3] =	wrdreg s25  }
0x3d: {  	[dreg:$0x4] =	wrdreg $0xA  }
0x3e: {  	_ =	task.clear_ibuf [dreg:s23], $0x5FFFF;
	_ =	strace $0x9000004C  }
0x3f: {  	s29 =	simm.s32 $0xA;
	_ =	strace $0x8000004E  }
0x40: {  	_ =	swait.ge [sflag:s29], $0x1  }
0x41: {  	[sflag:s29] =	ssyncadd.s32 $0xFFFFFFFF  }
0x42: {  	_ =	strace $0x9000004E  }
0x43: {  	_ =	sfence  }
0x44: {  	s30 =	sld [smem:$0x0];
	_ =	sdelay $0x2  }
0x45: {  	s31 =	sshll.u32 s1, $0xD;
	s1 =	sshrl.u32 s1, $0x2  }
0x46: {  	s4 =	sand.u32 $0x4000, s31;
	s1 =	sadd.s32 s1, s30  }
0x47: {  	s0 =	sor.u32 s4, s0;
	s1 =	sshll.u32 s1, $0x11  }
0x48: {  	s0 =	sor.u32 s1, s0  }
0x49: {  	s0 =	sadd.s32 $0x8F2B, s0  }
0x4a: {  	[sflag:s0] =	ssyncadd.remote.s32 $0x1  }
0x4b: {  	_ =	sfence.sel $0xFFFF  }
0x4c: {  	[dreg:$0x0] =	wrdreg $0xFFFFFFFF;
	(pc) =	sbr.abs _section_cstart, $3  }
0x4d: {  	[dreg:$0x1] =	wrdreg $0xFFFFFFFF  }
0x4e: {  	_ =	task.clear_ibuf [dreg:s23], $0x2FFFF;
	_ =	strace $0x9FFFFFFF  }
0x4f: {  	(tm) =	ssettm $0x7FFFFFFF  }
tec
execute0_lowered:
.L_overlay_start_1:
0x0: {  	(tag) =	ssettag $0x1  }
0x1: {  	s0 =	stileid.u32;
	s1 =	srdreg.scid  }
0x2: {  	s3 =	rddreg [dreg:$0x0];
	s2 =	sshll.u32 s0, $0x5;
	s1 =	sshll.u32 s1, $0x9  }
0x3: {  	s5 =	rddreg [dreg:$0x1];
	s6 =	simm.s32 $0x1;
	s1 =	sor.u32 s2, s1  }
0x4: {  	s8 =	simm.s32 $0x2;
	s15 =	simm.s32 $0x0;
	s2 =	sand.u32 $0x380, s1  }
0x5: {  	s9 =	simm.s32 $0x2000;
	s14 =	simm.s32 $0x0;
	s4 =	ssub.s32 $0x400, s2  }
0x6: {  	s16 =	simm.s32 $0x0;
	s10 =	simm.s32 $0x0;
	s31 =	sand.u32 $0x380, s4  }
0x7: {  	s13 =	simm.s32 $0x0;
	s7 =	sand.u32 $0x3, s0;
	p0 =	sne.s32 s31, $0x0  }
.Ltmp0:
0x8: {  	s4 =	sshrl.u32 s4, $0xA;
	s6 =	simm.s32 @!p0 $0x0;
	(pc) =	sbr.rel .LBB1_1-.Ltmp0, $4  }
0x9: {  	s1 =	rddreg [dreg:$0x2];
	_ =	strace $0x8000004D;
	s6 =	sadd.s32 s6, s4  }
0xa: {  	s4 =	sadd.s32 $0x689A00, s5;
	s5 =	simm.s32 $0x1;
	s6 =	smul.u32 $0x13, s6  }
0xb: {  	s12 =	smov.u32 s7;
	s11 =	smov.u32 s2;
	[sflag:s5] =	ssyncpa.u1 $0x0  }
0xc: {  	p0 =	por $0x0, $0x0;
	[sflag:s8] =	ssyncpa.u1 $0x0;
	s8 =	sadd.s32 $0x1, s6  }
.LBB1_4:
0xd: {  	v5 =	vld [tilespmem:s20+$0xFFFFFFD0];
	[tilespmem:s19+$0x2040 ss:$0x81] =	vst.msk $0xffff, v1  }
0xe: {  	v58 =	vld [tilespmem:s20+$0xFFFFFFE0];
	[tilespmem:s19+$0x2850 ss:$0x81] =	vst.msk $0xffff, v2  }
0xf: {  	s21 =	sshra.s32 s21, $0x2;
	v59 =	vld [tilespmem:s20+$0xFFFFFFF0];
	[tilespmem:s19+$0x3060 ss:$0x81] =	vst.msk $0xffff, v3  }
0x10: {  	v60 =	vld [tilespmem:s20+$0x0];
	[tilespmem:s19+$0x0 ss:$0x81] =	vst.msk $0xffff, v0;
	s18 =	sadd.s32 s21, s18  }
0x11: {  	v61 =	vld [tilespmem:s20+$0x10];
	[tilespmem:s18+$0x3870 ss:$0x81] =	vst.msk $0xffff, v4  }
0x12: {  	v62 =	vld [tilespmem:s20+$0x20];
	[tilespmem:s18+$0x810 ss:$0x81] =	vst.msk $0xffff, v5  }
0x13: {  	v63 =	vld [tilespmem:s20+$0xFFFFFFC0];
	s16 =	smul.u32 $0x4C000, s16;
	[tilespmem:s18+$0x1020 ss:$0x81] =	vst.msk $0xffff, v58  }
0x14: {  	[tilespmem:s18+$0x1830 ss:$0x81] =	vst.msk $0xffff, v59  }
0x15: {  	s28 =	sand.u32 $0x3F80, s14;
	s15 =	sshll.u32 s15, $0xE;
	s16 =	sadd.s32 s4, s16;
	[tilespmem:s18+$0x2040 ss:$0x81] =	vst.msk $0xffff, v60  }
0x16: {  	s29 =	sshrl.u32 s14, $0x3;
	s30 =	sand.u32 $0x7, s14;
	s16 =	sadd.s32 s28, s16;
	[tilespmem:s18+$0x2850 ss:$0x81] =	vst.msk $0xffff, v61  }
0x17: {  	s31 =	sand.u32 $0xF, s29;
	s14 =	sshll.u32 s30, $0x12;
	s15 =	sadd.s32 s15, s16;
	[tilespmem:s18+$0x3060 ss:$0x81] =	vst.msk $0xffff, v62  }
0x18: {  	s14 =	sor.u32 $0x400, s14;
	[tilespmem:s18+$0x0 ss:$0x81] =	vst.msk $0xffff, v63;
	s15 =	sadd.s32 s31, s15  }
0x19: {  	[hbm4b:s15+s14] =	stream.strided.scatter [tilespmem:s17], [sflag:$0x2], $0x4000, s9, s14, $0x20;
	[tilespmem:$0x10100] =	vst v63  }
.LBB1_5:
0x1a: {  	s17 =	sadd.s32 $0x1, s10  }
0x1b: {  	s14 =	sadd.s32 $0x400, s11;
	s18 =	smov.u32 s11;
	p2 =	sgt.s32 s17, $0x12  }
0x1c: {  	s18 =	smov.u32 @p2 s14  }
0x1d: {  	s20 =	smov.u32 s12;
	s14 =	sadd.s32 $0x4, s12;
	p3 =	sgt.s32 s18, $0x3FF  }
0x1e: {  	s20 =	smov.u32 @p3 s14  }
0x1f: {  	s17 =	simm.s32 @p2 $0x0;
	p2 =	sgt.s32 s20, $0x3  }
0x20: {  	p1 =	slt.u32 s13, $0x2;
	s20 =	smov.u32 @p2 s7;
	p2 =	sne.s32 s13, s8  }
.Ltmp1:
0x21: {  	s19 =	simm.s32 @!p1 $0x2;
	(pc) =	sbr.rel @!p2 .LBB1_6-.Ltmp1, $4  }
0x22: {  	s15 =	smov.u32 s10;
	s16 =	smov.u32 s12;
	_ =	swait.ge @!p1 [sflag:s19], $0x4000  }
0x23: {  	p0 =	por !p0, !p0;
	[sflag:s19] =	ssyncset.done @!p1 $0x0;
	s10 =	smov.u32 s17  }
0x24: {  	s18 =	smov.u32 @p3 s2;
	s14 =	smov.u32 s11;
	[sflag:s19] =	ssyncadd.s32 @!p1 $0xFFFFC000  }
0x25: {  	s11 =	smov.u32 s18;
	s13 =	sadd.s32 $0x1, s13;
	s12 =	smov.u32 s20  }
.LBB1_1:
0x26: {  	p1 =	sge.u32 s13, s6  }
0x27: {  	s17 =	sand.u32 @!p1 $0x1FFFFFF, s10;
	s19 =	smul.u32 @!p1 $0x60000, s12  }
0x28: {  	s18 =	smulhi.u32 @!p1 $0xAAAAAAB, s17  }
0x29: {  	s21 =	smul.u32 @!p1 $0x180, s11  }
0x2a: {  	s18 =	smul.u32 @!p1 $0x18, s18  }
0x2b: {  	s31 =	sadd.s32 $0xFFFFFFFF, s13;
	s19 =	sadd.s32 @!p1 s3, s19  }
0x2c: {  	s20 =	sxor.u32 @!p1 $0xFFFFFFFF, s13;
	s19 =	sadd.s32 @!p1 s21, s19;
	s17 =	ssub.s32 @!p1 s17, s18  }
0x2d: {  	s18 =	sshll.u32 @!p1 s20, $0xE;
	s20 =	simm.s32 @!p1 $0xC00;
	s17 =	sshll.u32 @!p1 s17, $0x4  }
0x2e: {  	s18 =	sand.u32 @!p1 $0x4000, s18;
	s17 =	sadd.s32 @!p1 s17, s19;
	s19 =	simm.s32 @!p1 $0x80  }
0x2f: {  	[tilespmem:s18], [sflag:$0x1] =	stream.strided.gather @!p1 [hbm4b:s17+s19], $0x4000, s20, s19, $0x38;
	[tilespmem:$0x10100] =	vst v63  }
0x30: {  	p1 =	sge.u32 s31, s6  }
.Ltmp2:
0x31: {  	_ = 	snop;
	(pc) =	sbr.rel @p1 .LBB1_5-.Ltmp2, $1  }
0x32: {  	_ =	sdelay $0x3  }
0x33: {  	s17 =	simm.s32 $0x1  }
0x34: {  	_ =	swait.ge [sflag:s5], $0x4000;
	s17 =	simm.s32 @!p0 $0x0  }
0x35: {  	[sflag:s5] =	ssyncset.done $0x0;
	s18 =	sshll.u32 s17, $0xE  }
0x36: {  	[sflag:s5] =	ssyncadd.s32 $0xFFFFC000;
	s20 =	sor.u32 $0x40, s18  }
0x37: {  	s17 =	smul.u32 $0x10200, s17;
	v0 =	vld [tilespmem:s20+$0x30]  }
0x38: {  	v3 =	vld [tilespmem:s20+$0xFFFFFFD0]  }
0x39: {  	s17 =	sshrl.u32 s17, $0x2;
	v4 =	vld [tilespmem:s20+$0xFFFFFFE0]  }
0x3a: {  	v5 =	vld [tilespmem:s20+$0xFFFFFFF0];
	s18 =	sor.u32 $0x8000, s17  }
0x3b: {  	s31 =	sand.u32 $0x1, s13;
	v1 =	vld [tilespmem:s20+$0x0];
	s19 =	sadd.s32 $0x0, s18  }
0x3c: {  	v2 =	vld [tilespmem:s20+$0x10];
	s17 =	smul.u32 $0x10200, s31;
	[tilespmem:s19+$0x3870 ss:$0x81] =	vst.msk $0xffff, v0  }
0x3d: {  	[tilespmem:s19+$0x810 ss:$0x81] =	vst.msk $0xffff, v3;
	v3 =	vld [tilespmem:s20+$0x20]  }
0x3e: {  	s17 =	sshrl.u32 s17, $0x2;
	v0 =	vld [tilespmem:s20+$0xFFFFFFC0];
	[tilespmem:s19+$0x1020 ss:$0x81] =	vst.msk $0xffff, v4;
	s20 =	sadd.s32 $0x80, s20  }
0x3f: {  	s21 =	simm.s32 $0x4;
	s22 =	simm.s32 $0x8;
	s17 =	sor.u32 $0x8000, s17;
	[tilespmem:s19+$0x1830 ss:$0x81] =	vst.msk $0xffff, v5;
	v4 =	vld [tilespmem:s20+$0x30]  }
.LBB1_3:
0x40: {  	p1 =	sne.s32 s22, $0x1FC;
	v5 =	vld [tilespmem:s20+$0xFFFFFFD0];
	[tilespmem:s19+$0x2040 ss:$0x81] =	vst.msk $0xffff, v1  }
0x41: {  	v6 =	vld [tilespmem:s20+$0xFFFFFFE0];
	[tilespmem:s19+$0x2850 ss:$0x81] =	vst.msk $0xffff, v2  }
0x42: {  	s23 =	sshra.s32 s21, $0x2;
	s21 =	smov.u32 s22;
	v7 =	vld [tilespmem:s20+$0xFFFFFFF0];
	[tilespmem:s19+$0x3060 ss:$0x81] =	vst.msk $0xffff, v3  }
.Ltmp3:
0x43: {  	v1 =	vld [tilespmem:s20+$0x0];
	[tilespmem:s19+$0x0 ss:$0x81] =	vst.msk $0xffff, v0;
	s19 =	sadd.s32 s23, s18;
	(pc) =	sbr.rel @p1 .LBB1_3-.Ltmp3, $4  }
0x44: {  	v2 =	vld [tilespmem:s20+$0x10];
	[tilespmem:s19+$0x3870 ss:$0x81] =	vst.msk $0xffff, v4  }
0x45: {  	[tilespmem:s19+$0x810 ss:$0x81] =	vst.msk $0xffff, v5;
	v3 =	vld [tilespmem:s20+$0x20]  }
0x46: {  	v0 =	vld [tilespmem:s20+$0xFFFFFFC0];
	[tilespmem:s19+$0x1020 ss:$0x81] =	vst.msk $0xffff, v6;
	s20 =	sadd.s32 $0x80, s20  }
0x47: {  	s22 =	sadd.s32 $0x4, s22;
	v4 =	vld [tilespmem:s20+$0x30];
	[tilespmem:s19+$0x1830 ss:$0x81] =	vst.msk $0xffff, v7  }
.Ltmp4:
0x48: {  	_ = 	snop;
	(pc) =	sbr.rel .LBB1_4-.Ltmp4, $1  }
0x49: {  	_ =	sdelay $0x3  }
.LBB1_6:
0x4a: {  	_ =	sfence.sel $0x180000  }
0x4b: {  	s2 =	simm.s32 $0x1;
	[bflag:$0x0] =	sbarrier.arrive $0xFFFF  }
0x4c: {  	s31 =	simm.s32 $0x2;
	[sflag:s2] =	ssyncpa.u1 $0x1  }
0x4d: {  	[sflag:s31] =	ssyncpa.u1 $0x1  }
0x4e: {  	p0 =	sne.s32 s0, $0x0;
	_ =	strace $0x9000004D  }
0x4f: {  	s0 =	sadd.s32 @!p0 $0x100000, s1;
	[bflag:$0x2] =	sbarrier.arrive $0xFFFF  }
0x50: {  	[sflag:s0] =	ssyncadd.tile.s32 @!p0 $0x1;
	_ =	shalt  }
.Lfunc_end1:
_tile_overlayer_lowered:
.L_overlay_start_2:
0x51: {  	(tag) =	ssettag $0x2  }
0x52: {  	s0 =	rddreg [dreg:$0x0];
	s2 =	stileid.u32  }
0x53: {  	s1 =	rddreg [dreg:$0x1];
	p0 =	sne.s32 s2, $0x0  }
0x54: {  	s3 =	rddreg [dreg:$0x2];
	[bflag:$0x3] =	sbarrier.arrive $0xFFFF;
	s2 =	simm.s32 @!p0 $0x1C01  }
0x55: {  	[timem:s3], [sflag:s2] =	dma.local @!p0 [hbm:s0], s1  }
0x56: {  	s0 =	simm.s32 @!p0 $0x1  }
0x57: {  	_ =	swait.ge @!p0 [sflag:s0], s1  }
0x58: {  	s1 =	ssub.s32 @!p0 $0x0, s1;
	[sflag:s0] =	ssyncset.done @!p0 $0x0  }
0x59: {  	[sflag:s0] =	ssyncadd.s32 @!p0 s1  }
0x5a: {  	[bflag:$0x3] =	sbarrier.arrive $0xFFFF  }
0x5b: {  	_ =	shalt  }

// kernel: sparse-core-data-format-call.2.cloned.1.call-start
scs
called_computation.2_lowered:
.L_overlay_start_0:
0x0: {  	s1 =	sld [smem:$0x3FD9]  }
0x1: {  	s2 =	sld [smem:$0x3FFE];
	_ =	sdelay $0x1  }
0x2: {  	s3 =	srdreg.scid  }
0x3: {  	s0 =	sand.u32 $0x1, s3  }
0x4: {  	s17 =	sshll.u32 s0, $0xA;
	s1 =	sadd.s32 s2, s1  }
0x5: {  	s1 =	sadd.s32 s1, s17  }
0x6: {  	[smem:$0x3FB1] =	sst s1  }
0x7: {  	_ = 	snop  }
0x8: {  	(tm) =	ssettm $0x1  }
0x9: {  	s18 =	sld [smem:$0x3FFB];
	_ =	sdelay $0x3  }
0xa: {  	_ =	strace s18  }
0xb: {  	s1 =	sld [smem:$0x3FFC];
	_ =	sdelay $0x3  }
0xc: {  	_ =	strace s1  }
0xd: {  	s1 =	sld [smem:$0x3FFD];
	_ =	sdelay $0x3  }
0xe: {  	_ =	strace s1  }
0xf: {  	_ =	strace $0x8FFFFFFF  }
0x10: {  	s19 =	sld [smem:$0x3FDB];
	_ =	sdelay $0x1  }
0x11: {  	s20 =	simm.s32 $_scs_section_size  }
0x12: {  	s4 =	simm.s32 $_size__tile_overlayer_lowered;
	s5 =	simm.s32 $_tile_overlayer_lowered  }
0x13: {  	s23 =	simm.s32 $0x1BFF;
	s22 =	sshll.u32 s5, $0x1;
	s1 =	sadd.s32 s20, s19  }
0x14: {  	s6 =	simm.s32 $0x0;
	s21 =	sshll.u32 s4, $0x1;
	s4 =	sadd.s32 s22, s1  }
0x15: {  	[timem:s6], [sflag:s23] =	dma.local [hbm:s4], s21  }
0x16: {  	_ =	swait.ge [sflag:s23], s21  }
0x17: {  	s2 =	ssub.s32 $0x0, s21;
	[sflag:s23] =	ssyncset.done $0x0  }
0x18: {  	[sflag:s23] =	ssyncadd.s32 s2;
	_ =	sdelay $0x1  }
0x19: {  	s24 =	simm.s32 $0x1B8B  }
0x1a: {  	_ =	swait.ge [sflag:s24], $0x1  }
0x1b: {  	[sflag:s24] =	ssyncset.done $0x0  }
0x1c: {  	s26 =	simm.s32 $0x1B8E;
	s25 =	sld [smem:$0x3FFE];
	[sflag:s24] =	ssyncadd.s32 $0xFFFFFFFF  }
0x1d: {  	s27 =	simm.s32 $execute0_lowered;
	[smem:$0x3FD2] =	sst s26  }
0x1e: {  	s4 =	sshll.u32 s27, $0x1;
	_ =	strace $0x80000046;
	[dreg:$0x1] =	wrdreg $0xFFFFFFFF  }
0x1f: {  	s28 =	simm.s32 $_size_execute0_lowered;
	s1 =	sadd.s32 s1, s4;
	[dreg:$0x0] =	wrdreg $0x0  }
0x20: {  	s4 =	sshll.u32 s28, $0x1;
	[dreg:$0x2] =	wrdreg s1  }
0x21: {  	[dreg:$0x3] =	wrdreg s4  }
0x22: {  	[dreg:$0x4] =	wrdreg $0xC0  }
0x23: {  	_ =	task [dreg:s6], $0x5FFFF  }
0x24: {  	[dreg:$0x1] =	wrdreg $0xFFFFFFFF  }
0x25: {  	[dreg:$0x0] =	wrdreg $0x60  }
0x26: {  	[dreg:$0x2] =	wrdreg s25  }
0x27: {  	[dreg:$0x3] =	wrdreg $0x9  }
0x28: {  	_ =	task.clear_ibuf [dreg:s6], $0x4FFFF;
	_ =	strace $0x90000046  }
0x29: {  	s29 =	simm.s32 $0x9;
	_ =	strace $0x80000048  }
0x2a: {  	_ =	swait.ge [sflag:s29], $0x1  }
0x2b: {  	[sflag:s29] =	ssyncadd.s32 $0xFFFFFFFF  }
0x2c: {  	_ =	strace $0x90000048  }
0x2d: {  	_ =	sfence  }
0x2e: {  	s30 =	sld [smem:$0x0];
	_ =	sdelay $0x2  }
0x2f: {  	s31 =	sshll.u32 s3, $0xD;
	s3 =	sshrl.u32 s3, $0x2  }
0x30: {  	s2 =	sand.u32 $0x4000, s31;
	s1 =	sadd.s32 s3, s30  }
0x31: {  	s0 =	sor.u32 s2, s0;
	s1 =	sshll.u32 s1, $0x11  }
0x32: {  	s0 =	sor.u32 s1, s0  }
0x33: {  	s0 =	sadd.s32 $0x8F2B, s0  }
0x34: {  	[sflag:s0] =	ssyncadd.remote.s32 $0x1  }
0x35: {  	_ =	sfence.sel $0xFFFF  }
0x36: {  	[dreg:$0x0] =	wrdreg $0xFFFFFFFF;
	(pc) =	sbr.abs _section_cstart, $3  }
0x37: {  	[dreg:$0x1] =	wrdreg $0xFFFFFFFF  }
0x38: {  	_ =	task.clear_ibuf [dreg:s6], $0x2FFFF;
	_ =	strace $0x9FFFFFFF  }
0x39: {  	(tm) =	ssettm $0x7FFFFFFF  }
tec
execute0_lowered:
.L_overlay_start_1:
0x0: {  	(tag) =	ssettag $0x1  }
0x1: {  	s0 =	stileid.u32;
	s1 =	srdreg.scid  }
0x2: {  	s4 =	rddreg [dreg:$0x0];
	s2 =	sshll.u32 s0, $0x5;
	s1 =	sshll.u32 s1, $0x9  }
0x3: {  	s5 =	simm.s32 $0x1;
	s8 =	simm.s32 $0x2;
	s1 =	sor.u32 s2, s1  }
0x4: {  	s15 =	simm.s32 $0x0;
	s9 =	simm.s32 $0x2000;
	s2 =	sand.u32 $0x380, s1  }
0x5: {  	s14 =	simm.s32 $0x0;
	s16 =	simm.s32 $0x0;
	s3 =	ssub.s32 $0x400, s2  }
0x6: {  	s10 =	simm.s32 $0x0;
	s7 =	sand.u32 $0x3, s0;
	s31 =	sand.u32 $0x380, s3  }
0x7: {  	s13 =	simm.s32 $0x0;
	s12 =	smov.u32 s7;
	p0 =	sne.s32 s31, $0x0  }
.Ltmp0:
0x8: {  	s6 =	sshrl.u32 s3, $0xA;
	s5 =	simm.s32 @!p0 $0x0;
	(pc) =	sbr.rel .LBB1_1-.Ltmp0, $4  }
0x9: {  	s1 =	rddreg [dreg:$0x1];
	_ =	strace $0x80000047;
	s6 =	sadd.s32 s5, s6  }
0xa: {  	s11 =	smov.u32 s2;
	s5 =	simm.s32 $0x1;
	s6 =	smul.u32 $0x14, s6  }
0xb: {  	s3 =	sadd.s32 $0x90A00, s4;
	s4 =	sadd.s32 $0x210A00, s4;
	[sflag:s5] =	ssyncpa.u1 $0x0  }
0xc: {  	p0 =	por $0x0, $0x0;
	[sflag:s8] =	ssyncpa.u1 $0x0;
	s8 =	sor.u32 $0x1, s6  }
.LBB1_4:
0xd: {  	v5 =	vld [tilespmem:s20+$0xFFFFFFD0];
	[tilespmem:s19+$0x2040 ss:$0x81] =	vst.msk $0xffff, v1  }
0xe: {  	v58 =	vld [tilespmem:s20+$0xFFFFFFE0];
	[tilespmem:s19+$0x2850 ss:$0x81] =	vst.msk $0xffff, v2  }
0xf: {  	s21 =	sshra.s32 s21, $0x2;
	v59 =	vld [tilespmem:s20+$0xFFFFFFF0];
	[tilespmem:s19+$0x3060 ss:$0x81] =	vst.msk $0xffff, v3  }
0x10: {  	v60 =	vld [tilespmem:s20+$0x0];
	[tilespmem:s19+$0x0 ss:$0x81] =	vst.msk $0xffff, v0;
	s18 =	sadd.s32 s21, s18  }
0x11: {  	v61 =	vld [tilespmem:s20+$0x10];
	[tilespmem:s18+$0x3870 ss:$0x81] =	vst.msk $0xffff, v4  }
0x12: {  	v62 =	vld [tilespmem:s20+$0x20];
	[tilespmem:s18+$0x810 ss:$0x81] =	vst.msk $0xffff, v5  }
0x13: {  	v63 =	vld [tilespmem:s20+$0xFFFFFFC0];
	s16 =	smul.u32 $0x50000, s16;
	[tilespmem:s18+$0x1020 ss:$0x81] =	vst.msk $0xffff, v58  }
0x14: {  	[tilespmem:s18+$0x1830 ss:$0x81] =	vst.msk $0xffff, v59  }
0x15: {  	s28 =	sand.u32 $0x3F80, s14;
	s15 =	sshll.u32 s15, $0xE;
	s16 =	sadd.s32 s4, s16;
	[tilespmem:s18+$0x2040 ss:$0x81] =	vst.msk $0xffff, v60  }
0x16: {  	s29 =	sshrl.u32 s14, $0x3;
	s30 =	sand.u32 $0x7, s14;
	s16 =	sadd.s32 s28, s16;
	[tilespmem:s18+$0x2850 ss:$0x81] =	vst.msk $0xffff, v61  }
0x17: {  	s31 =	sand.u32 $0xF, s29;
	s14 =	sshll.u32 s30, $0x12;
	s15 =	sadd.s32 s15, s16;
	[tilespmem:s18+$0x3060 ss:$0x81] =	vst.msk $0xffff, v62  }
0x18: {  	s14 =	sor.u32 $0x400, s14;
	[tilespmem:s18+$0x0 ss:$0x81] =	vst.msk $0xffff, v63;
	s15 =	sadd.s32 s31, s15  }
0x19: {  	[hbm4b:s15+s14] =	stream.strided.scatter [tilespmem:s17], [sflag:$0x2], $0x4000, s9, s14, $0x20;
	[tilespmem:$0x10100] =	vst v63  }
.LBB1_5:
0x1a: {  	s17 =	sadd.s32 $0x1, s10  }
0x1b: {  	s14 =	sadd.s32 $0x400, s11;
	s18 =	smov.u32 s11;
	p2 =	sgt.s32 s17, $0x13  }
0x1c: {  	s18 =	smov.u32 @p2 s14  }
0x1d: {  	s20 =	smov.u32 s12;
	s14 =	sadd.s32 $0x4, s12;
	p3 =	sgt.s32 s18, $0x3FF  }
0x1e: {  	s20 =	smov.u32 @p3 s14  }
0x1f: {  	s17 =	simm.s32 @p2 $0x0;
	p2 =	sgt.s32 s20, $0x3  }
0x20: {  	p1 =	slt.u32 s13, $0x2;
	s20 =	smov.u32 @p2 s7;
	p2 =	sne.s32 s13, s8  }
.Ltmp1:
0x21: {  	s19 =	simm.s32 @!p1 $0x2;
	(pc) =	sbr.rel @!p2 .LBB1_6-.Ltmp1, $4  }
0x22: {  	s15 =	smov.u32 s10;
	s16 =	smov.u32 s12;
	_ =	swait.ge @!p1 [sflag:s19], $0x4000  }
0x23: {  	p0 =	por !p0, !p0;
	[sflag:s19] =	ssyncset.done @!p1 $0x0;
	s10 =	smov.u32 s17  }
0x24: {  	s18 =	smov.u32 @p3 s2;
	s14 =	smov.u32 s11;
	[sflag:s19] =	ssyncadd.s32 @!p1 $0xFFFFC000  }
0x25: {  	s11 =	smov.u32 s18;
	s13 =	sadd.s32 $0x1, s13;
	s12 =	smov.u32 s20  }
.LBB1_1:
0x26: {  	p1 =	sge.u32 s13, s6  }
0x27: {  	s17 =	sand.u32 @!p1 $0x1FFFFFF, s10;
	s19 =	smul.u32 @!p1 $0x60000, s12  }
0x28: {  	s18 =	smulhi.u32 @!p1 $0xAAAAAAB, s17  }
0x29: {  	s21 =	smul.u32 @!p1 $0x180, s11  }
0x2a: {  	s18 =	smul.u32 @!p1 $0x18, s18  }
0x2b: {  	s31 =	sadd.s32 $0xFFFFFFFF, s13;
	s19 =	sadd.s32 @!p1 s3, s19  }
0x2c: {  	s20 =	sxor.u32 @!p1 $0xFFFFFFFF, s13;
	s19 =	sadd.s32 @!p1 s21, s19;
	s17 =	ssub.s32 @!p1 s17, s18  }
0x2d: {  	s18 =	sshll.u32 @!p1 s20, $0xE;
	s20 =	simm.s32 @!p1 $0xC00;
	s17 =	sshll.u32 @!p1 s17, $0x4  }
0x2e: {  	s18 =	sand.u32 @!p1 $0x4000, s18;
	s17 =	sadd.s32 @!p1 s17, s19;
	s19 =	simm.s32 @!p1 $0x80  }
0x2f: {  	[tilespmem:s18], [sflag:$0x1] =	stream.strided.gather @!p1 [hbm4b:s17+s19], $0x4000, s20, s19, $0x38;
	[tilespmem:$0x10100] =	vst v63  }
0x30: {  	p1 =	sge.u32 s31, s6  }
.Ltmp2:
0x31: {  	_ = 	snop;
	(pc) =	sbr.rel @p1 .LBB1_5-.Ltmp2, $1  }
0x32: {  	_ =	sdelay $0x3  }
0x33: {  	s17 =	simm.s32 $0x1  }
0x34: {  	_ =	swait.ge [sflag:s5], $0x4000;
	s17 =	simm.s32 @!p0 $0x0  }
0x35: {  	[sflag:s5] =	ssyncset.done $0x0;
	s18 =	sshll.u32 s17, $0xE  }
0x36: {  	[sflag:s5] =	ssyncadd.s32 $0xFFFFC000;
	s20 =	sor.u32 $0x40, s18  }
0x37: {  	s17 =	smul.u32 $0x10200, s17;
	v0 =	vld [tilespmem:s20+$0x30]  }
0x38: {  	v3 =	vld [tilespmem:s20+$0xFFFFFFD0]  }
0x39: {  	s17 =	sshrl.u32 s17, $0x2;
	v4 =	vld [tilespmem:s20+$0xFFFFFFE0]  }
0x3a: {  	v5 =	vld [tilespmem:s20+$0xFFFFFFF0];
	s18 =	sor.u32 $0x8000, s17  }
0x3b: {  	s31 =	sand.u32 $0x1, s13;
	v1 =	vld [tilespmem:s20+$0x0];
	s19 =	sadd.s32 $0x0, s18  }
0x3c: {  	v2 =	vld [tilespmem:s20+$0x10];
	s17 =	smul.u32 $0x10200, s31;
	[tilespmem:s19+$0x3870 ss:$0x81] =	vst.msk $0xffff, v0  }
0x3d: {  	[tilespmem:s19+$0x810 ss:$0x81] =	vst.msk $0xffff, v3;
	v3 =	vld [tilespmem:s20+$0x20]  }
0x3e: {  	s17 =	sshrl.u32 s17, $0x2;
	v0 =	vld [tilespmem:s20+$0xFFFFFFC0];
	[tilespmem:s19+$0x1020 ss:$0x81] =	vst.msk $0xffff, v4;
	s20 =	sadd.s32 $0x80, s20  }
0x3f: {  	s21 =	simm.s32 $0x4;
	s22 =	simm.s32 $0x8;
	s17 =	sor.u32 $0x8000, s17;
	[tilespmem:s19+$0x1830 ss:$0x81] =	vst.msk $0xffff, v5;
	v4 =	vld [tilespmem:s20+$0x30]  }
.LBB1_3:
0x40: {  	p1 =	sne.s32 s22, $0x1FC;
	v5 =	vld [tilespmem:s20+$0xFFFFFFD0];
	[tilespmem:s19+$0x2040 ss:$0x81] =	vst.msk $0xffff, v1  }
0x41: {  	v6 =	vld [tilespmem:s20+$0xFFFFFFE0];
	[tilespmem:s19+$0x2850 ss:$0x81] =	vst.msk $0xffff, v2  }
0x42: {  	s23 =	sshra.s32 s21, $0x2;
	s21 =	smov.u32 s22;
	v7 =	vld [tilespmem:s20+$0xFFFFFFF0];
	[tilespmem:s19+$0x3060 ss:$0x81] =	vst.msk $0xffff, v3  }
.Ltmp3:
0x43: {  	v1 =	vld [tilespmem:s20+$0x0];
	[tilespmem:s19+$0x0 ss:$0x81] =	vst.msk $0xffff, v0;
	s19 =	sadd.s32 s23, s18;
	(pc) =	sbr.rel @p1 .LBB1_3-.Ltmp3, $4  }
0x44: {  	v2 =	vld [tilespmem:s20+$0x10];
	[tilespmem:s19+$0x3870 ss:$0x81] =	vst.msk $0xffff, v4  }
0x45: {  	[tilespmem:s19+$0x810 ss:$0x81] =	vst.msk $0xffff, v5;
	v3 =	vld [tilespmem:s20+$0x20]  }
0x46: {  	v0 =	vld [tilespmem:s20+$0xFFFFFFC0];
	[tilespmem:s19+$0x1020 ss:$0x81] =	vst.msk $0xffff, v6;
	s20 =	sadd.s32 $0x80, s20  }
0x47: {  	s22 =	sadd.s32 $0x4, s22;
	v4 =	vld [tilespmem:s20+$0x30];
	[tilespmem:s19+$0x1830 ss:$0x81] =	vst.msk $0xffff, v7  }
.Ltmp4:
0x48: {  	_ = 	snop;
	(pc) =	sbr.rel .LBB1_4-.Ltmp4, $1  }
0x49: {  	_ =	sdelay $0x3  }
.LBB1_6:
0x4a: {  	_ =	sfence.sel $0x180000  }
0x4b: {  	s2 =	simm.s32 $0x1;
	[bflag:$0x0] =	sbarrier.arrive $0xFFFF  }
0x4c: {  	s31 =	simm.s32 $0x2;
	[sflag:s2] =	ssyncpa.u1 $0x1  }
0x4d: {  	[sflag:s31] =	ssyncpa.u1 $0x1  }
0x4e: {  	p0 =	sne.s32 s0, $0x0;
	_ =	strace $0x90000047  }
0x4f: {  	s0 =	sadd.s32 @!p0 $0x100000, s1;
	[bflag:$0x2] =	sbarrier.arrive $0xFFFF  }
0x50: {  	[sflag:s0] =	ssyncadd.tile.s32 @!p0 $0x1;
	_ =	shalt  }
.Lfunc_end1:
_tile_overlayer_lowered:
.L_overlay_start_2:
0x51: {  	(tag) =	ssettag $0x2  }
0x52: {  	s0 =	rddreg [dreg:$0x0];
	s2 =	stileid.u32  }
0x53: {  	s1 =	rddreg [dreg:$0x1];
	p0 =	sne.s32 s2, $0x0  }
0x54: {  	s3 =	rddreg [dreg:$0x2];
	[bflag:$0x3] =	sbarrier.arrive $0xFFFF;
	s2 =	simm.s32 @!p0 $0x1C01  }
0x55: {  	[timem:s3], [sflag:s2] =	dma.local @!p0 [hbm:s0], s1  }
0x56: {  	s0 =	simm.s32 @!p0 $0x1  }
0x57: {  	_ =	swait.ge @!p0 [sflag:s0], s1  }
0x58: {  	s1 =	ssub.s32 @!p0 $0x0, s1;
	[sflag:s0] =	ssyncset.done @!p0 $0x0  }
0x59: {  	[sflag:s0] =	ssyncadd.s32 @!p0 s1  }
0x5a: {  	[bflag:$0x3] =	sbarrier.arrive $0xFFFF  }
0x5b: {  	_ =	shalt  }

// kernel: sparse-core-data-format-call.cloned.1.call-start
scs
called_computation_lowered:
.L_overlay_start_0:
0x0: {  	s1 =	sld [smem:$0x3FD9]  }
0x1: {  	s2 =	sld [smem:$0x3FFE];
	_ =	sdelay $0x1  }
0x2: {  	s3 =	srdreg.scid  }
0x3: {  	s0 =	sand.u32 $0x1, s3  }
0x4: {  	s17 =	sshll.u32 s0, $0xA;
	s1 =	sadd.s32 s2, s1  }
0x5: {  	s1 =	sadd.s32 s1, s17  }
0x6: {  	[smem:$0x3FB1] =	sst s1  }
0x7: {  	_ = 	snop  }
0x8: {  	(tm) =	ssettm $0x1  }
0x9: {  	s18 =	sld [smem:$0x3FFB];
	_ =	sdelay $0x3  }
0xa: {  	_ =	strace s18  }
0xb: {  	s1 =	sld [smem:$0x3FFC];
	_ =	sdelay $0x3  }
0xc: {  	_ =	strace s1  }
0xd: {  	s1 =	sld [smem:$0x3FFD];
	_ =	sdelay $0x3  }
0xe: {  	_ =	strace s1  }
0xf: {  	_ =	strace $0x8FFFFFFF  }
0x10: {  	s19 =	sld [smem:$0x3FDB];
	_ =	sdelay $0x1  }
0x11: {  	s20 =	simm.s32 $_scs_section_size  }
0x12: {  	s4 =	simm.s32 $_size__tile_overlayer_lowered;
	s5 =	simm.s32 $_tile_overlayer_lowered  }
0x13: {  	s23 =	simm.s32 $0x1BFF;
	s22 =	sshll.u32 s5, $0x1;
	s1 =	sadd.s32 s20, s19  }
0x14: {  	s6 =	simm.s32 $0x0;
	s21 =	sshll.u32 s4, $0x1;
	s4 =	sadd.s32 s22, s1  }
0x15: {  	[timem:s6], [sflag:s23] =	dma.local [hbm:s4], s21  }
0x16: {  	_ =	swait.ge [sflag:s23], s21  }
0x17: {  	s2 =	ssub.s32 $0x0, s21;
	[sflag:s23] =	ssyncset.done $0x0  }
0x18: {  	[sflag:s23] =	ssyncadd.s32 s2;
	_ =	sdelay $0x1  }
0x19: {  	s24 =	simm.s32 $0x1B8B  }
0x1a: {  	_ =	swait.ge [sflag:s24], $0x1  }
0x1b: {  	[sflag:s24] =	ssyncset.done $0x0  }
0x1c: {  	s26 =	simm.s32 $0x1B8E;
	s25 =	sld [smem:$0x3FFE];
	[sflag:s24] =	ssyncadd.s32 $0xFFFFFFFF  }
0x1d: {  	s27 =	simm.s32 $execute0_lowered;
	[smem:$0x3FD2] =	sst s26  }
0x1e: {  	s4 =	sshll.u32 s27, $0x1;
	_ =	strace $0x80000049;
	[dreg:$0x1] =	wrdreg $0xFFFFFFFF  }
0x1f: {  	s28 =	simm.s32 $_size_execute0_lowered;
	s1 =	sadd.s32 s1, s4;
	[dreg:$0x0] =	wrdreg $0x0  }
0x20: {  	s4 =	sshll.u32 s28, $0x1;
	[dreg:$0x2] =	wrdreg s1  }
0x21: {  	[dreg:$0x3] =	wrdreg s4  }
0x22: {  	[dreg:$0x4] =	wrdreg $0xC0  }
0x23: {  	_ =	task [dreg:s6], $0x5FFFF  }
0x24: {  	[dreg:$0x1] =	wrdreg $0xFFFFFFFF  }
0x25: {  	[dreg:$0x0] =	wrdreg $0x60  }
0x26: {  	[dreg:$0x2] =	wrdreg s25  }
0x27: {  	[dreg:$0x3] =	wrdreg $0x9  }
0x28: {  	_ =	task.clear_ibuf [dreg:s6], $0x4FFFF;
	_ =	strace $0x90000049  }
0x29: {  	s29 =	simm.s32 $0x9;
	_ =	strace $0x8000004B  }
0x2a: {  	_ =	swait.ge [sflag:s29], $0x1  }
0x2b: {  	[sflag:s29] =	ssyncadd.s32 $0xFFFFFFFF  }
0x2c: {  	_ =	strace $0x9000004B  }
0x2d: {  	_ =	sfence  }
0x2e: {  	s30 =	sld [smem:$0x0];
	_ =	sdelay $0x2  }
0x2f: {  	s31 =	sshll.u32 s3, $0xD;
	s3 =	sshrl.u32 s3, $0x2  }
0x30: {  	s2 =	sand.u32 $0x4000, s31;
	s1 =	sadd.s32 s3, s30  }
0x31: {  	s0 =	sor.u32 s2, s0;
	s1 =	sshll.u32 s1, $0x11  }
0x32: {  	s0 =	sor.u32 s1, s0  }
0x33: {  	s0 =	sadd.s32 $0x8F2B, s0  }
0x34: {  	[sflag:s0] =	ssyncadd.remote.s32 $0x1  }
0x35: {  	_ =	sfence.sel $0xFFFF  }
0x36: {  	[dreg:$0x0] =	wrdreg $0xFFFFFFFF;
	(pc) =	sbr.abs _section_cstart, $3  }
0x37: {  	[dreg:$0x1] =	wrdreg $0xFFFFFFFF  }
0x38: {  	_ =	task.clear_ibuf [dreg:s6], $0x2FFFF;
	_ =	strace $0x9FFFFFFF  }
0x39: {  	(tm) =	ssettm $0x7FFFFFFF  }
tec
execute0_lowered:
.L_overlay_start_1:
0x0: {  	(tag) =	ssettag $0x1  }
0x1: {  	s0 =	stileid.u32;
	s1 =	srdreg.scid  }
0x2: {  	s4 =	rddreg [dreg:$0x0];
	s2 =	sshll.u32 s0, $0x5;
	s1 =	sshll.u32 s1, $0x9  }
0x3: {  	s5 =	simm.s32 $0x1;
	s8 =	simm.s32 $0x2;
	s1 =	sor.u32 s2, s1  }
0x4: {  	s15 =	simm.s32 $0x0;
	s9 =	simm.s32 $0x2000;
	s2 =	sand.u32 $0x380, s1  }
0x5: {  	s14 =	simm.s32 $0x0;
	s16 =	simm.s32 $0x0;
	s3 =	ssub.s32 $0x400, s2  }
0x6: {  	s10 =	simm.s32 $0x0;
	s7 =	sand.u32 $0x3, s0;
	s31 =	sand.u32 $0x380, s3  }
0x7: {  	s13 =	simm.s32 $0x0;
	s12 =	smov.u32 s7;
	p0 =	sne.s32 s31, $0x0  }
.Ltmp0:
0x8: {  	s6 =	sshrl.u32 s3, $0xA;
	s5 =	simm.s32 @!p0 $0x0;
	(pc) =	sbr.rel .LBB1_1-.Ltmp0, $4  }
0x9: {  	s1 =	rddreg [dreg:$0x1];
	_ =	strace $0x8000004A;
	s6 =	sadd.s32 s5, s6  }
0xa: {  	s11 =	smov.u32 s2;
	s5 =	simm.s32 $0x1;
	s6 =	smul.u32 $0x13, s6  }
0xb: {  	s3 =	sadd.s32 $0x1D0A00, s4;
	s4 =	sadd.s32 $0x559A00, s4;
	[sflag:s5] =	ssyncpa.u1 $0x0  }
0xc: {  	p0 =	por $0x0, $0x0;
	[sflag:s8] =	ssyncpa.u1 $0x0;
	s8 =	sadd.s32 $0x1, s6  }
.LBB1_4:
0xd: {  	v5 =	vld [tilespmem:s20+$0xFFFFFFD0];
	[tilespmem:s19+$0x2040 ss:$0x81] =	vst.msk $0xffff, v1  }
0xe: {  	v58 =	vld [tilespmem:s20+$0xFFFFFFE0];
	[tilespmem:s19+$0x2850 ss:$0x81] =	vst.msk $0xffff, v2  }
0xf: {  	s21 =	sshra.s32 s21, $0x2;
	v59 =	vld [tilespmem:s20+$0xFFFFFFF0];
	[tilespmem:s19+$0x3060 ss:$0x81] =	vst.msk $0xffff, v3  }
0x10: {  	v60 =	vld [tilespmem:s20+$0x0];
	[tilespmem:s19+$0x0 ss:$0x81] =	vst.msk $0xffff, v0;
	s18 =	sadd.s32 s21, s18  }
0x11: {  	v61 =	vld [tilespmem:s20+$0x10];
	[tilespmem:s18+$0x3870 ss:$0x81] =	vst.msk $0xffff, v4  }
0x12: {  	v62 =	vld [tilespmem:s20+$0x20];
	[tilespmem:s18+$0x810 ss:$0x81] =	vst.msk $0xffff, v5  }
0x13: {  	v63 =	vld [tilespmem:s20+$0xFFFFFFC0];
	s16 =	smul.u32 $0x4C000, s16;
	[tilespmem:s18+$0x1020 ss:$0x81] =	vst.msk $0xffff, v58  }
0x14: {  	[tilespmem:s18+$0x1830 ss:$0x81] =	vst.msk $0xffff, v59  }
0x15: {  	s28 =	sand.u32 $0x3F80, s14;
	s15 =	sshll.u32 s15, $0xE;
	s16 =	sadd.s32 s4, s16;
	[tilespmem:s18+$0x2040 ss:$0x81] =	vst.msk $0xffff, v60  }
0x16: {  	s29 =	sshrl.u32 s14, $0x3;
	s30 =	sand.u32 $0x7, s14;
	s16 =	sadd.s32 s28, s16;
	[tilespmem:s18+$0x2850 ss:$0x81] =	vst.msk $0xffff, v61  }
0x17: {  	s31 =	sand.u32 $0xF, s29;
	s14 =	sshll.u32 s30, $0x12;
	s15 =	sadd.s32 s15, s16;
	[tilespmem:s18+$0x3060 ss:$0x81] =	vst.msk $0xffff, v62  }
0x18: {  	s14 =	sor.u32 $0x400, s14;
	[tilespmem:s18+$0x0 ss:$0x81] =	vst.msk $0xffff, v63;
	s15 =	sadd.s32 s31, s15  }
0x19: {  	[hbm4b:s15+s14] =	stream.strided.scatter [tilespmem:s17], [sflag:$0x2], $0x4000, s9, s14, $0x20;
	[tilespmem:$0x10100] =	vst v63  }
.LBB1_5:
0x1a: {  	s17 =	sadd.s32 $0x1, s10  }
0x1b: {  	s14 =	sadd.s32 $0x400, s11;
	s18 =	smov.u32 s11;
	p2 =	sgt.s32 s17, $0x12  }
0x1c: {  	s18 =	smov.u32 @p2 s14  }
0x1d: {  	s20 =	smov.u32 s12;
	s14 =	sadd.s32 $0x4, s12;
	p3 =	sgt.s32 s18, $0x3FF  }
0x1e: {  	s20 =	smov.u32 @p3 s14  }
0x1f: {  	s17 =	simm.s32 @p2 $0x0;
	p2 =	sgt.s32 s20, $0x3  }
0x20: {  	p1 =	slt.u32 s13, $0x2;
	s20 =	smov.u32 @p2 s7;
	p2 =	sne.s32 s13, s8  }
.Ltmp1:
0x21: {  	s19 =	simm.s32 @!p1 $0x2;
	(pc) =	sbr.rel @!p2 .LBB1_6-.Ltmp1, $4  }
0x22: {  	s15 =	smov.u32 s10;
	s16 =	smov.u32 s12;
	_ =	swait.ge @!p1 [sflag:s19], $0x4000  }
0x23: {  	p0 =	por !p0, !p0;
	[sflag:s19] =	ssyncset.done @!p1 $0x0;
	s10 =	smov.u32 s17  }
0x24: {  	s18 =	smov.u32 @p3 s2;
	s14 =	smov.u32 s11;
	[sflag:s19] =	ssyncadd.s32 @!p1 $0xFFFFC000  }
0x25: {  	s11 =	smov.u32 s18;
	s13 =	sadd.s32 $0x1, s13;
	s12 =	smov.u32 s20  }
.LBB1_1:
0x26: {  	p1 =	sge.u32 s13, s6  }
0x27: {  	s17 =	sand.u32 @!p1 $0x1FFFFFF, s10;
	s19 =	smul.u32 @!p1 $0x60000, s12  }
0x28: {  	s18 =	smulhi.u32 @!p1 $0xAAAAAAB, s17  }
0x29: {  	s21 =	smul.u32 @!p1 $0x180, s11  }
0x2a: {  	s18 =	smul.u32 @!p1 $0x18, s18  }
0x2b: {  	s31 =	sadd.s32 $0xFFFFFFFF, s13;
	s19 =	sadd.s32 @!p1 s3, s19  }
0x2c: {  	s20 =	sxor.u32 @!p1 $0xFFFFFFFF, s13;
	s19 =	sadd.s32 @!p1 s21, s19;
	s17 =	ssub.s32 @!p1 s17, s18  }
0x2d: {  	s18 =	sshll.u32 @!p1 s20, $0xE;
	s20 =	simm.s32 @!p1 $0xC00;
	s17 =	sshll.u32 @!p1 s17, $0x4  }
0x2e: {  	s18 =	sand.u32 @!p1 $0x4000, s18;
	s17 =	sadd.s32 @!p1 s17, s19;
	s19 =	simm.s32 @!p1 $0x80  }
0x2f: {  	[tilespmem:s18], [sflag:$0x1] =	stream.strided.gather @!p1 [hbm4b:s17+s19], $0x4000, s20, s19, $0x38;
	[tilespmem:$0x10100] =	vst v63  }
0x30: {  	p1 =	sge.u32 s31, s6  }
.Ltmp2:
0x31: {  	_ = 	snop;
	(pc) =	sbr.rel @p1 .LBB1_5-.Ltmp2, $1  }
0x32: {  	_ =	sdelay $0x3  }
0x33: {  	s17 =	simm.s32 $0x1  }
0x34: {  	_ =	swait.ge [sflag:s5], $0x4000;
	s17 =	simm.s32 @!p0 $0x0  }
0x35: {  	[sflag:s5] =	ssyncset.done $0x0;
	s18 =	sshll.u32 s17, $0xE  }
0x36: {  	[sflag:s5] =	ssyncadd.s32 $0xFFFFC000;
	s20 =	sor.u32 $0x40, s18  }
0x37: {  	s17 =	smul.u32 $0x10200, s17;
	v0 =	vld [tilespmem:s20+$0x30]  }
0x38: {  	v3 =	vld [tilespmem:s20+$0xFFFFFFD0]  }
0x39: {  	s17 =	sshrl.u32 s17, $0x2;
	v4 =	vld [tilespmem:s20+$0xFFFFFFE0]  }
0x3a: {  	v5 =	vld [tilespmem:s20+$0xFFFFFFF0];
	s18 =	sor.u32 $0x8000, s17  }
0x3b: {  	s31 =	sand.u32 $0x1, s13;
	v1 =	vld [tilespmem:s20+$0x0];
	s19 =	sadd.s32 $0x0, s18  }
0x3c: {  	v2 =	vld [tilespmem:s20+$0x10];
	s17 =	smul.u32 $0x10200, s31;
	[tilespmem:s19+$0x3870 ss:$0x81] =	vst.msk $0xffff, v0  }
0x3d: {  	[tilespmem:s19+$0x810 ss:$0x81] =	vst.msk $0xffff, v3;
	v3 =	vld [tilespmem:s20+$0x20]  }
0x3e: {  	s17 =	sshrl.u32 s17, $0x2;
	v0 =	vld [tilespmem:s20+$0xFFFFFFC0];
	[tilespmem:s19+$0x1020 ss:$0x81] =	vst.msk $0xffff, v4;
	s20 =	sadd.s32 $0x80, s20  }
0x3f: {  	s21 =	simm.s32 $0x4;
	s22 =	simm.s32 $0x8;
	s17 =	sor.u32 $0x8000, s17;
	[tilespmem:s19+$0x1830 ss:$0x81] =	vst.msk $0xffff, v5;
	v4 =	vld [tilespmem:s20+$0x30]  }
.LBB1_3:
0x40: {  	p1 =	sne.s32 s22, $0x1FC;
	v5 =	vld [tilespmem:s20+$0xFFFFFFD0];
	[tilespmem:s19+$0x2040 ss:$0x81] =	vst.msk $0xffff, v1  }
0x41: {  	v6 =	vld [tilespmem:s20+$0xFFFFFFE0];
	[tilespmem:s19+$0x2850 ss:$0x81] =	vst.msk $0xffff, v2  }
0x42: {  	s23 =	sshra.s32 s21, $0x2;
	s21 =	smov.u32 s22;
	v7 =	vld [tilespmem:s20+$0xFFFFFFF0];
	[tilespmem:s19+$0x3060 ss:$0x81] =	vst.msk $0xffff, v3  }
.Ltmp3:
0x43: {  	v1 =	vld [tilespmem:s20+$0x0];
	[tilespmem:s19+$0x0 ss:$0x81] =	vst.msk $0xffff, v0;
	s19 =	sadd.s32 s23, s18;
	(pc) =	sbr.rel @p1 .LBB1_3-.Ltmp3, $4  }
0x44: {  	v2 =	vld [tilespmem:s20+$0x10];
	[tilespmem:s19+$0x3870 ss:$0x81] =	vst.msk $0xffff, v4  }
0x45: {  	[tilespmem:s19+$0x810 ss:$0x81] =	vst.msk $0xffff, v5;
	v3 =	vld [tilespmem:s20+$0x20]  }
0x46: {  	v0 =	vld [tilespmem:s20+$0xFFFFFFC0];
	[tilespmem:s19+$0x1020 ss:$0x81] =	vst.msk $0xffff, v6;
	s20 =	sadd.s32 $0x80, s20  }
0x47: {  	s22 =	sadd.s32 $0x4, s22;
	v4 =	vld [tilespmem:s20+$0x30];
	[tilespmem:s19+$0x1830 ss:$0x81] =	vst.msk $0xffff, v7  }
.Ltmp4:
0x48: {  	_ = 	snop;
	(pc) =	sbr.rel .LBB1_4-.Ltmp4, $1  }
0x49: {  	_ =	sdelay $0x3  }
.LBB1_6:
0x4a: {  	_ =	sfence.sel $0x180000  }
0x4b: {  	s2 =	simm.s32 $0x1;
	[bflag:$0x0] =	sbarrier.arrive $0xFFFF  }
0x4c: {  	s31 =	simm.s32 $0x2;
	[sflag:s2] =	ssyncpa.u1 $0x1  }
0x4d: {  	[sflag:s31] =	ssyncpa.u1 $0x1  }
0x4e: {  	p0 =	sne.s32 s0, $0x0;
	_ =	strace $0x9000004A  }
0x4f: {  	s0 =	sadd.s32 @!p0 $0x100000, s1;
	[bflag:$0x2] =	sbarrier.arrive $0xFFFF  }
0x50: {  	[sflag:s0] =	ssyncadd.tile.s32 @!p0 $0x1;
	_ =	shalt  }
.Lfunc_end1:
_tile_overlayer_lowered:
.L_overlay_start_2:
0x51: {  	(tag) =	ssettag $0x2  }
0x52: {  	s0 =	rddreg [dreg:$0x0];
	s2 =	stileid.u32  }
0x53: {  	s1 =	rddreg [dreg:$0x1];
	p0 =	sne.s32 s2, $0x0  }
0x54: {  	s3 =	rddreg [dreg:$0x2];
	[bflag:$0x3] =	sbarrier.arrive $0xFFFF;
	s2 =	simm.s32 @!p0 $0x1C01  }
0x55: {  	[timem:s3], [sflag:s2] =	dma.local @!p0 [hbm:s0], s1  }
0x56: {  	s0 =	simm.s32 @!p0 $0x1  }
0x57: {  	_ =	swait.ge @!p0 [sflag:s0], s1  }
0x58: {  	s1 =	ssub.s32 @!p0 $0x0, s1;
	[sflag:s0] =	ssyncset.done @!p0 $0x0  }
0x59: {  	[sflag:s0] =	ssyncadd.s32 @!p0 s1  }
0x5a: {  	[bflag:$0x3] =	sbarrier.arrive $0xFFFF  }
0x5b: {  	_ =	shalt  }

</sc_bundles>
